<compile_context>
chip_gen: v7x
topology: tpu7x:2x2x1
jax: 0.10.2.dev20260603
libtpu: 0.0.44.dev20260713+nightly
codegen_flags: <defaults>
</compile_context>

<pallas_src>
import functools

import jax
import jax.numpy as jnp
from jax import lax
from jax.experimental import pallas as pl
from jax.experimental.pallas import tpu as pltpu
from jax.experimental.pallas import tpu_sc as plsc

_MAX_POSITION = 2048


def _tc_phase_shift(tab_ref, out_ref, *, width):
    ncols = tab_ref.shape[1]
    for t in range(tab_ref.shape[0]):
        x = jnp.broadcast_to(tab_ref[t], (128, ncols))
        rolled = pltpu.roll(x, ncols - 127, axis=1, stride=1, stride_axis=0)
        out_ref[:, t, :] = rolled[:, :width]


def _sc_expand(phases_hbm, out_hbm, spmem, sem_stage, sem_out, *, length, depth):
    c = lax.axis_index("c")
    s = lax.axis_index("s")
    ppw = 2
    n_waves = 128 // (2 * ppw)

    def stage(w):
        return pltpu.make_async_copy(
            phases_hbm.at[pl.ds(2 * ppw * w + ppw * c, ppw)],
            spmem.at[lax.rem(w, 2)],
            sem_stage,
        )

    @pl.when(s == 0)
    def _():
        h = stage(0)
        h.start()
        h.wait()

    plsc.subcore_barrier()

    def wave(w, carry):
        nxt = w + 1
        prefetch = (s == 0) & (nxt < n_waves)

        @pl.when(prefetch)
        def _():
            stage(nxt).start()

        a = pl.multiple_of(
            (length - 128) - 128 * s, 128
        )
        rows = []
        for q in range(ppw):
            r = 2 * ppw * w + ppw * c + q
            i = r + 128 * s
            rows.append(
                pltpu.make_async_copy(
                    spmem.at[lax.rem(w, 2), q, :, pl.ds(a, length)],
                    out_hbm.at[i],
                    sem_out,
                )
            )
        for h in rows:
            h.start()
        for h in rows:
            h.wait()

        @pl.when(prefetch)
        def _():
            stage(nxt).wait()

        plsc.subcore_barrier()
        return carry

    lax.fori_loop(0, n_waves, wave, 0)


def kernel(inputs, rel_embeddings):
    length = inputs.shape[1]
    depth = rel_embeddings.shape[1]
    table_rows = rel_embeddings.shape[0]

    width = 2 * length - 128
    padded_cols = width + 128
    revt = rel_embeddings[::-1].T
    revt = jnp.pad(revt, ((0, 0), (0, padded_cols - table_rows)))

    phases = pl.pallas_call(
        functools.partial(_tc_phase_shift, width=width),
        grid=(depth // 8,),
        in_specs=[pl.BlockSpec((8, padded_cols), lambda d: (d, 0))],
        out_specs=pl.BlockSpec((128, 8, width), lambda d: (0, d, 0)),
        out_shape=jax.ShapeDtypeStruct((128, depth, width), jnp.float32),
    )(revt)

    mesh = plsc.VectorSubcoreMesh(core_axis_name="c", subcore_axis_name="s")
    body = functools.partial(_sc_expand, length=length, depth=depth)
    out = pl.kernel(
        body,
        mesh=mesh,
        out_type=jax.ShapeDtypeStruct((length, depth, length), jnp.float32),
        scratch_types=[
            pltpu.VMEM_SHARED((2, 2, depth, width), jnp.float32),
            pltpu.SemaphoreType.DMA,
            pltpu.SemaphoreType.DMA,
        ],
    )(phases)
    return jnp.transpose(out, (0, 2, 1))

# --- scband reference (transcript-rebuilt; emitter-appended) ---
"""Pipeline reference for scband-relative-position-encoding-63737314672805 (READ-ONLY COPY).

The authoritative reference and input builder live on the scoring server;
editing this copy changes nothing except your own understanding.
"""

import jax, jax.numpy as jnp
import numpy as np

MAX_POSITION = 2048
DEPTH = 64

def glorot_uniform(key, shape):
    fan_in, fan_out = shape[0], shape[1]
    limit = np.sqrt(6.0 / (fan_in + fan_out))
    return jax.random.uniform(key, shape, dtype=jnp.float32, minval=-limit, maxval=limit)

def setup_inputs(seed: int = 0) -> dict:
    key = jax.random.key(seed)
    k1, k2 = jax.random.split(key)
    inputs = jax.random.normal(k1, (1, 2048, 64), dtype=jnp.float32)
    rel_embeddings = glorot_uniform(k2, (2 * MAX_POSITION - 1, DEPTH))
    return {"inputs": inputs, "rel_embeddings": rel_embeddings}

def reference(inputs, rel_embeddings):
    length = inputs.shape[1]
    pos_range = jnp.arange(length)
    pos_indices = pos_range[:, None] - pos_range[None, :] + MAX_POSITION - 1
    pos_emb = jnp.take(rel_embeddings, pos_indices, axis=0)
    return pos_emb

if __name__ == "__main__":
    import jax
    _d = setup_inputs()
    print(jax.jit(kernel)(*tuple(_d.values())))

</pallas_src>

<mosaic_0001>
#map = affine_map<(d0, d1) -> (0, 0, 0)>
module attributes {stable_mosaic.version = 14 : i64} {
  func.func @_sc_expand(%arg0: i32, %arg1: i32, %arg2: memref<128x64x3968xf32, #tpu.memory_space<hbm>>, %arg3: memref<2048x64x2048xf32, #tpu.memory_space<hbm>>, %arg4: memref<2x2x64x3968xf32, #tpu.memory_space<vmem_shared>>, %arg5: memref<!tpu.dma_semaphore, #tpu.memory_space<semaphore_mem>>, %arg6: memref<!tpu.dma_semaphore, #tpu.memory_space<semaphore_mem>>) attributes {dimension_semantics = [#tpu.dimension_semantics<core_parallel>, #tpu.dimension_semantics<subcore_parallel>], iteration_bounds = array<i64: 2, 16>, scalar_prefetch = 0 : i64, scratch_operands = 3 : i64, tpu.core_type = #tpu.core_type<sc_vector_subcore>, window_params = [{transform_indices = #map}, {transform_indices = #map}]} {
    %eq3A = arith.constant 0 : i32
    %eq3A_0 = arith.cmpi eq, %arg1, %eq3A : i32
    %convert_element_type3A = arith.extui %eq3A_0 : i1 to i32
    %cond3A = arith.constant 0 : i32
    %cond3A_1 = arith.cmpi ne, %convert_element_type3A, %cond3A : i32
    scf.if %cond3A_1 {
      %mul3A = arith.constant 2 : i32
      %mul3A_7 = arith.muli %mul3A, %arg0 : i32
      %add3A = arith.constant 0 : i32
      %add3A_8 = arith.addi %add3A, %mul3A_7 : i32
      %rem3A = arith.constant 0 : i32
      %rem3A_9 = arith.constant 2 : i32
      %rem3A_10 = arith.remsi %rem3A, %rem3A_9 : i32
      %dma_start3A = arith.constant 0 : i32
      %dma_start3A_11 = arith.constant 0 : i32
      %dma_start3A_12 = arith.constant 0 : i32
      %dma_start3A_13 = tpu.memref_slice %arg4[%rem3A_10, %dma_start3A, %dma_start3A_11, %dma_start3A_12] : memref<2x2x64x3968xf32, #tpu.memory_space<vmem_shared>> -> memref<1x2x64x3968xf32, #tpu.memory_space<vmem_shared>>
      %dma_start3A_14 = tpu.memref_squeeze %dma_start3A_13 : memref<1x2x64x3968xf32, #tpu.memory_space<vmem_shared>> -> memref<2x64x3968xf32, #tpu.memory_space<vmem_shared>>
      %dma_start3A_15 = arith.constant 0 : i32
      %dma_start3A_16 = arith.constant 0 : i32
      %dma_start3A_17 = tpu.memref_slice %arg2[%add3A_8, %dma_start3A_15, %dma_start3A_16] : memref<128x64x3968xf32, #tpu.memory_space<hbm>> -> memref<2x64x3968xf32, #tpu.memory_space<hbm>>
      tpu.enqueue_dma source(%dma_start3A_17 : memref<2x64x3968xf32, #tpu.memory_space<hbm>>) target(%dma_start3A_14 : memref<2x64x3968xf32, #tpu.memory_space<vmem_shared>>) target_semaphore(%arg5 : memref<!tpu.dma_semaphore, #tpu.memory_space<semaphore_mem>>)
      %dma_wait3A = arith.constant 0 : i32
      %dma_wait3A_18 = arith.constant 0 : i32
      %dma_wait3A_19 = arith.constant 0 : i32
      %dma_wait3A_20 = tpu.memref_slice %arg4[%rem3A_10, %dma_wait3A, %dma_wait3A_18, %dma_wait3A_19] : memref<2x2x64x3968xf32, #tpu.memory_space<vmem_shared>> -> memref<1x2x64x3968xf32, #tpu.memory_space<vmem_shared>>
      %dma_wait3A_21 = tpu.memref_squeeze %dma_wait3A_20 : memref<1x2x64x3968xf32, #tpu.memory_space<vmem_shared>> -> memref<2x64x3968xf32, #tpu.memory_space<vmem_shared>>
      %dma_wait3A_22 = arith.constant 0 : i32
      %dma_wait3A_23 = arith.constant 0 : i32
      %dma_wait3A_24 = tpu.memref_slice %arg2[%add3A_8, %dma_wait3A_22, %dma_wait3A_23] : memref<128x64x3968xf32, #tpu.memory_space<hbm>> -> memref<2x64x3968xf32, #tpu.memory_space<hbm>>
      tpu.wait_dma2 semaphore(%arg5 : memref<!tpu.dma_semaphore, #tpu.memory_space<semaphore_mem>>) src(%dma_wait3A_24 : memref<2x64x3968xf32, #tpu.memory_space<hbm>>) dst(%dma_wait3A_21 : memref<2x64x3968xf32, #tpu.memory_space<vmem_shared>>)
    } else {
    }
    %barrier3A = arith.constant 0 : index
    tpu.barrier barrier_id(%barrier3A)
    %scan3A = arith.constant 0 : i32
    %scan3A_2 = arith.constant 0 : i32
    %scan3A_3 = arith.constant 32 : i32
    %scan3A_4 = arith.addi %scan3A_2, %scan3A_3 : i32
    %scan3A_5 = arith.constant 1 : i32
    scf.for %scan3A_7 = %scan3A_2 to %scan3A_4 step %scan3A_5  : i32 {
      %add3A = arith.constant 1 : i32
      %add3A_8 = arith.addi %scan3A_7, %add3A : i32
      %eq3A_9 = arith.constant 0 : i32
      %eq3A_10 = arith.cmpi eq, %arg1, %eq3A_9 : i32
      %lt3A = arith.constant 32 : i32
      %lt3A_11 = arith.cmpi slt, %add3A_8, %lt3A : i32
      %and3A = arith.andi %eq3A_10, %lt3A_11 : i1
      %convert_element_type3A_12 = arith.extui %and3A : i1 to i32
      %cond3A_13 = arith.constant 0 : i32
      %cond3A_14 = arith.cmpi ne, %convert_element_type3A_12, %cond3A_13 : i32
      scf.if %cond3A_14 {
        %mul3A_74 = arith.constant 4 : i32
        %mul3A_75 = arith.muli %mul3A_74, %add3A_8 : i32
        %mul3A_76 = arith.constant 2 : i32
        %mul3A_77 = arith.muli %mul3A_76, %arg0 : i32
        %add3A_78 = arith.addi %mul3A_75, %mul3A_77 : i32
        %rem3A_79 = arith.constant 2 : i32
        %rem3A_80 = arith.remsi %add3A_8, %rem3A_79 : i32
        %dma_start3A_81 = arith.constant 0 : i32
        %dma_start3A_82 = arith.constant 0 : i32
        %dma_start3A_83 = arith.constant 0 : i32
        %dma_start3A_84 = tpu.memref_slice %arg4[%rem3A_80, %dma_start3A_81, %dma_start3A_82, %dma_start3A_83] : memref<2x2x64x3968xf32, #tpu.memory_space<vmem_shared>> -> memref<1x2x64x3968xf32, #tpu.memory_space<vmem_shared>>
        %dma_start3A_85 = tpu.memref_squeeze %dma_start3A_84 : memref<1x2x64x3968xf32, #tpu.memory_space<vmem_shared>> -> memref<2x64x3968xf32, #tpu.memory_space<vmem_shared>>
        %dma_start3A_86 = arith.constant 0 : i32
        %dma_start3A_87 = arith.constant 0 : i32
        %dma_start3A_88 = tpu.memref_slice %arg2[%add3A_78, %dma_start3A_86, %dma_start3A_87] : memref<128x64x3968xf32, #tpu.memory_space<hbm>> -> memref<2x64x3968xf32, #tpu.memory_space<hbm>>
        tpu.enqueue_dma source(%dma_start3A_88 : memref<2x64x3968xf32, #tpu.memory_space<hbm>>) target(%dma_start3A_85 : memref<2x64x3968xf32, #tpu.memory_space<vmem_shared>>) target_semaphore(%arg5 : memref<!tpu.dma_semaphore, #tpu.memory_space<semaphore_mem>>)
      } else {
      }
      %mul3A = arith.constant 128 : i32
      %mul3A_15 = arith.muli %mul3A, %arg1 : i32
      %sub3A = arith.constant 1920 : i32
      %sub3A_16 = arith.subi %sub3A, %mul3A_15 : i32
      %multiple_of3A = tpu.assume_multiple %sub3A_16, 128 : i32
      %mul3A_17 = arith.constant 4 : i32
      %mul3A_18 = arith.muli %mul3A_17, %scan3A_7 : i32
      %mul3A_19 = arith.constant 2 : i32
      %mul3A_20 = arith.muli %mul3A_19, %arg0 : i32
      %add3A_21 = arith.addi %mul3A_18, %mul3A_20 : i32
      %add3A_22 = arith.constant 0 : i32
      %add3A_23 = arith.addi %add3A_21, %add3A_22 : i32
      %mul3A_24 = arith.constant 128 : i32
      %mul3A_25 = arith.muli %mul3A_24, %arg1 : i32
      %add3A_26 = arith.addi %add3A_23, %mul3A_25 : i32
      %rem3A = arith.constant 2 : i32
      %rem3A_27 = arith.remsi %scan3A_7, %rem3A : i32
      %mul3A_28 = arith.constant 4 : i32
      %mul3A_29 = arith.muli %mul3A_28, %scan3A_7 : i32
      %mul3A_30 = arith.constant 2 : i32
      %mul3A_31 = arith.muli %mul3A_30, %arg0 : i32
      %add3A_32 = arith.addi %mul3A_29, %mul3A_31 : i32
      %add3A_33 = arith.constant 1 : i32
      %add3A_34 = arith.addi %add3A_32, %add3A_33 : i32
      %mul3A_35 = arith.constant 128 : i32
      %mul3A_36 = arith.muli %mul3A_35, %arg1 : i32
      %add3A_37 = arith.addi %add3A_34, %mul3A_36 : i32
      %rem3A_38 = arith.constant 2 : i32
      %rem3A_39 = arith.remsi %scan3A_7, %rem3A_38 : i32
      %dma_start3A = arith.constant 0 : i32
      %dma_start3A_40 = arith.constant 0 : i32
      %dma_start3A_41 = arith.constant 0 : i32
      %dma_start3A_42 = tpu.memref_slice %arg3[%add3A_26, %dma_start3A_40, %dma_start3A_41] : memref<2048x64x2048xf32, #tpu.memory_space<hbm>> -> memref<1x64x2048xf32, #tpu.memory_space<hbm>>
      %dma_start3A_43 = tpu.memref_squeeze %dma_start3A_42 : memref<1x64x2048xf32, #tpu.memory_space<hbm>> -> memref<64x2048xf32, #tpu.memory_space<hbm>>
      %dma_start3A_44 = arith.constant 0 : i32
      %dma_start3A_45 = tpu.memref_slice %arg4[%rem3A_27, %dma_start3A, %dma_start3A_44, %multiple_of3A] : memref<2x2x64x3968xf32, #tpu.memory_space<vmem_shared>> -> memref<1x1x64x2048xf32, #tpu.memory_space<vmem_shared>>
      %dma_start3A_46 = tpu.memref_squeeze %dma_start3A_45 : memref<1x1x64x2048xf32, #tpu.memory_space<vmem_shared>> -> memref<64x2048xf32, #tpu.memory_space<vmem_shared>>
      tpu.enqueue_dma source(%dma_start3A_46 : memref<64x2048xf32, #tpu.memory_space<vmem_shared>>) target(%dma_start3A_43 : memref<64x2048xf32, #tpu.memory_space<hbm>>) target_semaphore(%arg6 : memref<!tpu.dma_semaphore, #tpu.memory_space<semaphore_mem>>)
      %dma_start3A_47 = arith.constant 1 : i32
      %dma_start3A_48 = arith.constant 0 : i32
      %dma_start3A_49 = arith.constant 0 : i32
      %dma_start3A_50 = tpu.memref_slice %arg3[%add3A_37, %dma_start3A_48, %dma_start3A_49] : memref<2048x64x2048xf32, #tpu.memory_space<hbm>> -> memref<1x64x2048xf32, #tpu.memory_space<hbm>>
      %dma_start3A_51 = tpu.memref_squeeze %dma_start3A_50 : memref<1x64x2048xf32, #tpu.memory_space<hbm>> -> memref<64x2048xf32, #tpu.memory_space<hbm>>
      %dma_start3A_52 = arith.constant 0 : i32
      %dma_start3A_53 = tpu.memref_slice %arg4[%rem3A_39, %dma_start3A_47, %dma_start3A_52, %multiple_of3A] : memref<2x2x64x3968xf32, #tpu.memory_space<vmem_shared>> -> memref<1x1x64x2048xf32, #tpu.memory_space<vmem_shared>>
      %dma_start3A_54 = tpu.memref_squeeze %dma_start3A_53 : memref<1x1x64x2048xf32, #tpu.memory_space<vmem_shared>> -> memref<64x2048xf32, #tpu.memory_space<vmem_shared>>
      tpu.enqueue_dma source(%dma_start3A_54 : memref<64x2048xf32, #tpu.memory_space<vmem_shared>>) target(%dma_start3A_51 : memref<64x2048xf32, #tpu.memory_space<hbm>>) target_semaphore(%arg6 : memref<!tpu.dma_semaphore, #tpu.memory_space<semaphore_mem>>)
      %dma_wait3A = arith.constant 0 : i32
      %dma_wait3A_55 = arith.constant 0 : i32
      %dma_wait3A_56 = arith.constant 0 : i32
      %dma_wait3A_57 = tpu.memref_slice %arg3[%add3A_26, %dma_wait3A_55, %dma_wait3A_56] : memref<2048x64x2048xf32, #tpu.memory_space<hbm>> -> memref<1x64x2048xf32, #tpu.memory_space<hbm>>
      %dma_wait3A_58 = tpu.memref_squeeze %dma_wait3A_57 : memref<1x64x2048xf32, #tpu.memory_space<hbm>> -> memref<64x2048xf32, #tpu.memory_space<hbm>>
      %dma_wait3A_59 = arith.constant 0 : i32
      %dma_wait3A_60 = tpu.memref_slice %arg4[%rem3A_27, %dma_wait3A, %dma_wait3A_59, %multiple_of3A] : memref<2x2x64x3968xf32, #tpu.memory_space<vmem_shared>> -> memref<1x1x64x2048xf32, #tpu.memory_space<vmem_shared>>
      %dma_wait3A_61 = tpu.memref_squeeze %dma_wait3A_60 : memref<1x1x64x2048xf32, #tpu.memory_space<vmem_shared>> -> memref<64x2048xf32, #tpu.memory_space<vmem_shared>>
      tpu.wait_dma2 semaphore(%arg6 : memref<!tpu.dma_semaphore, #tpu.memory_space<semaphore_mem>>) src(%dma_wait3A_61 : memref<64x2048xf32, #tpu.memory_space<vmem_shared>>) dst(%dma_wait3A_58 : memref<64x2048xf32, #tpu.memory_space<hbm>>)
      %dma_wait3A_62 = arith.constant 1 : i32
      %dma_wait3A_63 = arith.constant 0 : i32
      %dma_wait3A_64 = arith.constant 0 : i32
      %dma_wait3A_65 = tpu.memref_slice %arg3[%add3A_37, %dma_wait3A_63, %dma_wait3A_64] : memref<2048x64x2048xf32, #tpu.memory_space<hbm>> -> memref<1x64x2048xf32, #tpu.memory_space<hbm>>
      %dma_wait3A_66 = tpu.memref_squeeze %dma_wait3A_65 : memref<1x64x2048xf32, #tpu.memory_space<hbm>> -> memref<64x2048xf32, #tpu.memory_space<hbm>>
      %dma_wait3A_67 = arith.constant 0 : i32
      %dma_wait3A_68 = tpu.memref_slice %arg4[%rem3A_39, %dma_wait3A_62, %dma_wait3A_67, %multiple_of3A] : memref<2x2x64x3968xf32, #tpu.memory_space<vmem_shared>> -> memref<1x1x64x2048xf32, #tpu.memory_space<vmem_shared>>
      %dma_wait3A_69 = tpu.memref_squeeze %dma_wait3A_68 : memref<1x1x64x2048xf32, #tpu.memory_space<vmem_shared>> -> memref<64x2048xf32, #tpu.memory_space<vmem_shared>>
      tpu.wait_dma2 semaphore(%arg6 : memref<!tpu.dma_semaphore, #tpu.memory_space<semaphore_mem>>) src(%dma_wait3A_69 : memref<64x2048xf32, #tpu.memory_space<vmem_shared>>) dst(%dma_wait3A_66 : memref<64x2048xf32, #tpu.memory_space<hbm>>)
      %convert_element_type3A_70 = arith.extui %and3A : i1 to i32
      %cond3A_71 = arith.constant 0 : i32
      %cond3A_72 = arith.cmpi ne, %convert_element_type3A_70, %cond3A_71 : i32
      scf.if %cond3A_72 {
        %mul3A_74 = arith.constant 4 : i32
        %mul3A_75 = arith.muli %mul3A_74, %add3A_8 : i32
        %mul3A_76 = arith.constant 2 : i32
        %mul3A_77 = arith.muli %mul3A_76, %arg0 : i32
        %add3A_78 = arith.addi %mul3A_75, %mul3A_77 : i32
        %rem3A_79 = arith.constant 2 : i32
        %rem3A_80 = arith.remsi %add3A_8, %rem3A_79 : i32
        %dma_wait3A_81 = arith.constant 0 : i32
        %dma_wait3A_82 = arith.constant 0 : i32
        %dma_wait3A_83 = arith.constant 0 : i32
        %dma_wait3A_84 = tpu.memref_slice %arg4[%rem3A_80, %dma_wait3A_81, %dma_wait3A_82, %dma_wait3A_83] : memref<2x2x64x3968xf32, #tpu.memory_space<vmem_shared>> -> memref<1x2x64x3968xf32, #tpu.memory_space<vmem_shared>>
        %dma_wait3A_85 = tpu.memref_squeeze %dma_wait3A_84 : memref<1x2x64x3968xf32, #tpu.memory_space<vmem_shared>> -> memref<2x64x3968xf32, #tpu.memory_space<vmem_shared>>
        %dma_wait3A_86 = arith.constant 0 : i32
        %dma_wait3A_87 = arith.constant 0 : i32
        %dma_wait3A_88 = tpu.memref_slice %arg2[%add3A_78, %dma_wait3A_86, %dma_wait3A_87] : memref<128x64x3968xf32, #tpu.memory_space<hbm>> -> memref<2x64x3968xf32, #tpu.memory_space<hbm>>
        tpu.wait_dma2 semaphore(%arg5 : memref<!tpu.dma_semaphore, #tpu.memory_space<semaphore_mem>>) src(%dma_wait3A_88 : memref<2x64x3968xf32, #tpu.memory_space<hbm>>) dst(%dma_wait3A_85 : memref<2x64x3968xf32, #tpu.memory_space<vmem_shared>>)
      } else {
      }
      %barrier3A_73 = arith.constant 0 : index
      tpu.barrier barrier_id(%barrier3A_73)
    }
    %scan3A_6 = arith.constant 32 : i32
    return
  }
}

module attributes {stable_mosaic.version = 14 : i64} {
  func.func @_tc_phase_shift(%arg0: i32, %arg1: memref<8x4096xf32, #tpu.memory_space<vmem>>, %arg2: memref<128x8x3968xf32, #tpu.memory_space<vmem>>) attributes {dimension_semantics = [#tpu.dimension_semantics<arbitrary>], iteration_bounds = array<i64: 8>, scalar_prefetch = 0 : i64, scratch_operands = 0 : i64, tpu.core_type = #tpu.core_type<tc>, window_params = [{transform_indices = @transform_0, window_bounds = array<i64: 8, 4096>}, {transform_indices = @transform_1, window_bounds = array<i64: 128, 8, 3968>}]} {
    %get3A = arith.constant 0 : index
    %get3A_0 = arith.constant 0 : index
    %get3A_1 = vector.load %arg1[%get3A, %get3A_0] : memref<8x4096xf32, #tpu.memory_space<vmem>>, vector<1x4096xf32>
    %get3A_2 = vector.shape_cast %get3A_1 : vector<1x4096xf32> to vector<4096xf32>
    %broadcast_in_dim3A = vector.shape_cast %get3A_2 : vector<4096xf32> to vector<1x4096xf32>
    %broadcast_in_dim3A_3 = vector.broadcast %broadcast_in_dim3A : vector<1x4096xf32> to vector<128x4096xf32>
    %roll3A = arith.constant 3969 : i32
    %roll3A_4 = tpu.dynamic_rotate %broadcast_in_dim3A_3 by %roll3A dim 1 {stride = 1 : si32, stride_dimension = 0 : si32} : vector<128x4096xf32>, i32 -> vector<128x4096xf32>
    %slice3A = vector.extract_strided_slice %roll3A_4 {offsets = [0, 0], sizes = [128, 3968], strides = [1, 1]} : vector<128x4096xf32> to vector<128x3968xf32>
    %swap3A = arith.constant 0 : index
    %swap3A_5 = arith.constant 0 : index
    %swap3A_6 = arith.constant 0 : index
    %swap3A_7 = vector.load %arg2[%swap3A, %swap3A_5, %swap3A_6] : memref<128x8x3968xf32, #tpu.memory_space<vmem>>, vector<128x1x3968xf32>
    %swap3A_8 = vector.shape_cast %swap3A_7 : vector<128x1x3968xf32> to vector<128x3968xf32>
    %swap3A_9 = vector.shape_cast %slice3A : vector<128x3968xf32> to vector<128x1x3968xf32>
    tpu.vector_store %arg2[%swap3A, %swap3A_5, %swap3A_6], %swap3A_9 {strides = array<i32>} : memref<128x8x3968xf32, #tpu.memory_space<vmem>>, vector<128x1x3968xf32>,
    %get3A_10 = arith.constant 1 : index
    %get3A_11 = arith.constant 0 : index
    %get3A_12 = vector.load %arg1[%get3A_10, %get3A_11] : memref<8x4096xf32, #tpu.memory_space<vmem>>, vector<1x4096xf32>
    %get3A_13 = vector.shape_cast %get3A_12 : vector<1x4096xf32> to vector<4096xf32>
    %broadcast_in_dim3A_14 = vector.shape_cast %get3A_13 : vector<4096xf32> to vector<1x4096xf32>
    %broadcast_in_dim3A_15 = vector.broadcast %broadcast_in_dim3A_14 : vector<1x4096xf32> to vector<128x4096xf32>
    %roll3A_16 = arith.constant 3969 : i32
    %roll3A_17 = tpu.dynamic_rotate %broadcast_in_dim3A_15 by %roll3A_16 dim 1 {stride = 1 : si32, stride_dimension = 0 : si32} : vector<128x4096xf32>, i32 -> vector<128x4096xf32>
    %slice3A_18 = vector.extract_strided_slice %roll3A_17 {offsets = [0, 0], sizes = [128, 3968], strides = [1, 1]} : vector<128x4096xf32> to vector<128x3968xf32>
    %swap3A_19 = arith.constant 0 : index
    %swap3A_20 = arith.constant 1 : index
    %swap3A_21 = arith.constant 0 : index
    %swap3A_22 = vector.load %arg2[%swap3A_19, %swap3A_20, %swap3A_21] : memref<128x8x3968xf32, #tpu.memory_space<vmem>>, vector<128x1x3968xf32>
    %swap3A_23 = vector.shape_cast %swap3A_22 : vector<128x1x3968xf32> to vector<128x3968xf32>
    %swap3A_24 = vector.shape_cast %slice3A_18 : vector<128x3968xf32> to vector<128x1x3968xf32>
    tpu.vector_store %arg2[%swap3A_19, %swap3A_20, %swap3A_21], %swap3A_24 {strides = array<i32>} : memref<128x8x3968xf32, #tpu.memory_space<vmem>>, vector<128x1x3968xf32>,
    %get3A_25 = arith.constant 2 : index
    %get3A_26 = arith.constant 0 : index
    %get3A_27 = vector.load %arg1[%get3A_25, %get3A_26] : memref<8x4096xf32, #tpu.memory_space<vmem>>, vector<1x4096xf32>
    %get3A_28 = vector.shape_cast %get3A_27 : vector<1x4096xf32> to vector<4096xf32>
    %broadcast_in_dim3A_29 = vector.shape_cast %get3A_28 : vector<4096xf32> to vector<1x4096xf32>
    %broadcast_in_dim3A_30 = vector.broadcast %broadcast_in_dim3A_29 : vector<1x4096xf32> to vector<128x4096xf32>
    %roll3A_31 = arith.constant 3969 : i32
    %roll3A_32 = tpu.dynamic_rotate %broadcast_in_dim3A_30 by %roll3A_31 dim 1 {stride = 1 : si32, stride_dimension = 0 : si32} : vector<128x4096xf32>, i32 -> vector<128x4096xf32>
    %slice3A_33 = vector.extract_strided_slice %roll3A_32 {offsets = [0, 0], sizes = [128, 3968], strides = [1, 1]} : vector<128x4096xf32> to vector<128x3968xf32>
    %swap3A_34 = arith.constant 0 : index
    %swap3A_35 = arith.constant 2 : index
    %swap3A_36 = arith.constant 0 : index
    %swap3A_37 = vector.load %arg2[%swap3A_34, %swap3A_35, %swap3A_36] : memref<128x8x3968xf32, #tpu.memory_space<vmem>>, vector<128x1x3968xf32>
    %swap3A_38 = vector.shape_cast %swap3A_37 : vector<128x1x3968xf32> to vector<128x3968xf32>
    %swap3A_39 = vector.shape_cast %slice3A_33 : vector<128x3968xf32> to vector<128x1x3968xf32>
    tpu.vector_store %arg2[%swap3A_34, %swap3A_35, %swap3A_36], %swap3A_39 {strides = array<i32>} : memref<128x8x3968xf32, #tpu.memory_space<vmem>>, vector<128x1x3968xf32>,
    %get3A_40 = arith.constant 3 : index
    %get3A_41 = arith.constant 0 : index
    %get3A_42 = vector.load %arg1[%get3A_40, %get3A_41] : memref<8x4096xf32, #tpu.memory_space<vmem>>, vector<1x4096xf32>
    %get3A_43 = vector.shape_cast %get3A_42 : vector<1x4096xf32> to vector<4096xf32>
    %broadcast_in_dim3A_44 = vector.shape_cast %get3A_43 : vector<4096xf32> to vector<1x4096xf32>
    %broadcast_in_dim3A_45 = vector.broadcast %broadcast_in_dim3A_44 : vector<1x4096xf32> to vector<128x4096xf32>
    %roll3A_46 = arith.constant 3969 : i32
    %roll3A_47 = tpu.dynamic_rotate %broadcast_in_dim3A_45 by %roll3A_46 dim 1 {stride = 1 : si32, stride_dimension = 0 : si32} : vector<128x4096xf32>, i32 -> vector<128x4096xf32>
    %slice3A_48 = vector.extract_strided_slice %roll3A_47 {offsets = [0, 0], sizes = [128, 3968], strides = [1, 1]} : vector<128x4096xf32> to vector<128x3968xf32>
    %swap3A_49 = arith.constant 0 : index
    %swap3A_50 = arith.constant 3 : index
    %swap3A_51 = arith.constant 0 : index
    %swap3A_52 = vector.load %arg2[%swap3A_49, %swap3A_50, %swap3A_51] : memref<128x8x3968xf32, #tpu.memory_space<vmem>>, vector<128x1x3968xf32>
    %swap3A_53 = vector.shape_cast %swap3A_52 : vector<128x1x3968xf32> to vector<128x3968xf32>
    %swap3A_54 = vector.shape_cast %slice3A_48 : vector<128x3968xf32> to vector<128x1x3968xf32>
    tpu.vector_store %arg2[%swap3A_49, %swap3A_50, %swap3A_51], %swap3A_54 {strides = array<i32>} : memref<128x8x3968xf32, #tpu.memory_space<vmem>>, vector<128x1x3968xf32>,
    %get3A_55 = arith.constant 4 : index
    %get3A_56 = arith.constant 0 : index
    %get3A_57 = vector.load %arg1[%get3A_55, %get3A_56] : memref<8x4096xf32, #tpu.memory_space<vmem>>, vector<1x4096xf32>
    %get3A_58 = vector.shape_cast %get3A_57 : vector<1x4096xf32> to vector<4096xf32>
    %broadcast_in_dim3A_59 = vector.shape_cast %get3A_58 : vector<4096xf32> to vector<1x4096xf32>
    %broadcast_in_dim3A_60 = vector.broadcast %broadcast_in_dim3A_59 : vector<1x4096xf32> to vector<128x4096xf32>
    %roll3A_61 = arith.constant 3969 : i32
    %roll3A_62 = tpu.dynamic_rotate %broadcast_in_dim3A_60 by %roll3A_61 dim 1 {stride = 1 : si32, stride_dimension = 0 : si32} : vector<128x4096xf32>, i32 -> vector<128x4096xf32>
    %slice3A_63 = vector.extract_strided_slice %roll3A_62 {offsets = [0, 0], sizes = [128, 3968], strides = [1, 1]} : vector<128x4096xf32> to vector<128x3968xf32>
    %swap3A_64 = arith.constant 0 : index
    %swap3A_65 = arith.constant 4 : index
    %swap3A_66 = arith.constant 0 : index
    %swap3A_67 = vector.load %arg2[%swap3A_64, %swap3A_65, %swap3A_66] : memref<128x8x3968xf32, #tpu.memory_space<vmem>>, vector<128x1x3968xf32>
    %swap3A_68 = vector.shape_cast %swap3A_67 : vector<128x1x3968xf32> to vector<128x3968xf32>
    %swap3A_69 = vector.shape_cast %slice3A_63 : vector<128x3968xf32> to vector<128x1x3968xf32>
    tpu.vector_store %arg2[%swap3A_64, %swap3A_65, %swap3A_66], %swap3A_69 {strides = array<i32>} : memref<128x8x3968xf32, #tpu.memory_space<vmem>>, vector<128x1x3968xf32>,
    %get3A_70 = arith.constant 5 : index
    %get3A_71 = arith.constant 0 : index
    %get3A_72 = vector.load %arg1[%get3A_70, %get3A_71] : memref<8x4096xf32, #tpu.memory_space<vmem>>, vector<1x4096xf32>
    %get3A_73 = vector.shape_cast %get3A_72 : vector<1x4096xf32> to vector<4096xf32>
    %broadcast_in_dim3A_74 = vector.shape_cast %get3A_73 : vector<4096xf32> to vector<1x4096xf32>
    %broadcast_in_dim3A_75 = vector.broadcast %broadcast_in_dim3A_74 : vector<1x4096xf32> to vector<128x4096xf32>
    %roll3A_76 = arith.constant 3969 : i32
    %roll3A_77 = tpu.dynamic_rotate %broadcast_in_dim3A_75 by %roll3A_76 dim 1 {stride = 1 : si32, stride_dimension = 0 : si32} : vector<128x4096xf32>, i32 -> vector<128x4096xf32>
    %slice3A_78 = vector.extract_strided_slice %roll3A_77 {offsets = [0, 0], sizes = [128, 3968], strides = [1, 1]} : vector<128x4096xf32> to vector<128x3968xf32>
    %swap3A_79 = arith.constant 0 : index
    %swap3A_80 = arith.constant 5 : index
    %swap3A_81 = arith.constant 0 : index
    %swap3A_82 = vector.load %arg2[%swap3A_79, %swap3A_80, %swap3A_81] : memref<128x8x3968xf32, #tpu.memory_space<vmem>>, vector<128x1x3968xf32>
    %swap3A_83 = vector.shape_cast %swap3A_82 : vector<128x1x3968xf32> to vector<128x3968xf32>
    %swap3A_84 = vector.shape_cast %slice3A_78 : vector<128x3968xf32> to vector<128x1x3968xf32>
    tpu.vector_store %arg2[%swap3A_79, %swap3A_80, %swap3A_81], %swap3A_84 {strides = array<i32>} : memref<128x8x3968xf32, #tpu.memory_space<vmem>>, vector<128x1x3968xf32>,
    %get3A_85 = arith.constant 6 : index
    %get3A_86 = arith.constant 0 : index
    %get3A_87 = vector.load %arg1[%get3A_85, %get3A_86] : memref<8x4096xf32, #tpu.memory_space<vmem>>, vector<1x4096xf32>
    %get3A_88 = vector.shape_cast %get3A_87 : vector<1x4096xf32> to vector<4096xf32>
    %broadcast_in_dim3A_89 = vector.shape_cast %get3A_88 : vector<4096xf32> to vector<1x4096xf32>
    %broadcast_in_dim3A_90 = vector.broadcast %broadcast_in_dim3A_89 : vector<1x4096xf32> to vector<128x4096xf32>
    %roll3A_91 = arith.constant 3969 : i32
    %roll3A_92 = tpu.dynamic_rotate %broadcast_in_dim3A_90 by %roll3A_91 dim 1 {stride = 1 : si32, stride_dimension = 0 : si32} : vector<128x4096xf32>, i32 -> vector<128x4096xf32>
    %slice3A_93 = vector.extract_strided_slice %roll3A_92 {offsets = [0, 0], sizes = [128, 3968], strides = [1, 1]} : vector<128x4096xf32> to vector<128x3968xf32>
    %swap3A_94 = arith.constant 0 : index
    %swap3A_95 = arith.constant 6 : index
    %swap3A_96 = arith.constant 0 : index
    %swap3A_97 = vector.load %arg2[%swap3A_94, %swap3A_95, %swap3A_96] : memref<128x8x3968xf32, #tpu.memory_space<vmem>>, vector<128x1x3968xf32>
    %swap3A_98 = vector.shape_cast %swap3A_97 : vector<128x1x3968xf32> to vector<128x3968xf32>
    %swap3A_99 = vector.shape_cast %slice3A_93 : vector<128x3968xf32> to vector<128x1x3968xf32>
    tpu.vector_store %arg2[%swap3A_94, %swap3A_95, %swap3A_96], %swap3A_99 {strides = array<i32>} : memref<128x8x3968xf32, #tpu.memory_space<vmem>>, vector<128x1x3968xf32>,
    %get3A_100 = arith.constant 7 : index
    %get3A_101 = arith.constant 0 : index
    %get3A_102 = vector.load %arg1[%get3A_100, %get3A_101] : memref<8x4096xf32, #tpu.memory_space<vmem>>, vector<1x4096xf32>
    %get3A_103 = vector.shape_cast %get3A_102 : vector<1x4096xf32> to vector<4096xf32>
    %broadcast_in_dim3A_104 = vector.shape_cast %get3A_103 : vector<4096xf32> to vector<1x4096xf32>
    %broadcast_in_dim3A_105 = vector.broadcast %broadcast_in_dim3A_104 : vector<1x4096xf32> to vector<128x4096xf32>
    %roll3A_106 = arith.constant 3969 : i32
    %roll3A_107 = tpu.dynamic_rotate %broadcast_in_dim3A_105 by %roll3A_106 dim 1 {stride = 1 : si32, stride_dimension = 0 : si32} : vector<128x4096xf32>, i32 -> vector<128x4096xf32>
    %slice3A_108 = vector.extract_strided_slice %roll3A_107 {offsets = [0, 0], sizes = [128, 3968], strides = [1, 1]} : vector<128x4096xf32> to vector<128x3968xf32>
    %swap3A_109 = arith.constant 0 : index
    %swap3A_110 = arith.constant 7 : index
    %swap3A_111 = arith.constant 0 : index
    %swap3A_112 = vector.load %arg2[%swap3A_109, %swap3A_110, %swap3A_111] : memref<128x8x3968xf32, #tpu.memory_space<vmem>>, vector<128x1x3968xf32>
    %swap3A_113 = vector.shape_cast %swap3A_112 : vector<128x1x3968xf32> to vector<128x3968xf32>
    %swap3A_114 = vector.shape_cast %slice3A_108 : vector<128x3968xf32> to vector<128x1x3968xf32>
    tpu.vector_store %arg2[%swap3A_109, %swap3A_110, %swap3A_111], %swap3A_114 {strides = array<i32>} : memref<128x8x3968xf32, #tpu.memory_space<vmem>>, vector<128x1x3968xf32>,
    return
  }
  func.func @transform_0(%arg0: i32) -> (i32, i32) {
    %c0_i32 = arith.constant 0 : i32
    %c0_i32_0 = arith.constant 0 : i32
    return %arg0, %c0_i32 : i32, i32
  }
  func.func @transform_1(%arg0: i32) -> (i32, i32, i32) {
    %c0_i32 = arith.constant 0 : i32
    %c0_i32_0 = arith.constant 0 : i32
    %c0_i32_1 = arith.constant 0 : i32
    return %c0_i32, %arg0, %c0_i32_0 : i32, i32, i32
  }
}

</mosaic_0001>

<sc_bundles>
// kernel: kernel.4.cloned.1.call-start
scs
__scs_entry_jumppad:
0x0: {  	(pc) =	sbr.rel $0x88, $3  }
0x1: {  	(tag) =	ssettag $0x0;
	lr =	simm.s32 $0x1  }
0x2: {  	[smem:$0x3FA0] =	sst lr;
	_ =	strace $0xD0000000  }
0x3: {  	_ = 	snop  }
0x4: {  	_ = 	snop  }
0x5: {  	_ = 	snop  }
0x6: {  	_ = 	snop  }
0x7: {  	_ = 	snop  }
__scs_overlays_trampoline_lowered:
0x8: {  	[smem:$0x3FAF] =	sst s0  }
0x9: {  	[smem:$0x3FB0] =	sst s1  }
0xa: {  	[smem:$0x3FB1] =	sst s2  }
0xb: {  	[smem:$0x3FB2] =	sst s3  }
0xc: {  	[smem:$0x3FB3] =	sst s4  }
0xd: {  	[smem:$0x3FB4] =	sst s5  }
0xe: {  	[smem:$0x3FB5] =	sst s6  }
0xf: {  	[smem:$0x3FB6] =	sst s7  }
0x10: {  	[smem:$0x3FB7] =	sst s8  }
0x11: {  	[smem:$0x3FB8] =	sst s9;
	s0 =	simm.s32 @!p0 $0x0  }
0x12: {  	s1 =	sld [smem:$0x3F9E];
	s0 =	simm.s32 @p0 $0x1  }
0x13: {  	[smem:$0x3FB9] =	sst s0;
	s0 =	simm.s32 @!p1 $0x0  }
0x14: {  	s2 =	sld [smem:$0x3F9D];
	s0 =	simm.s32 @p1 $0x1  }
0x15: {  	[smem:$0x3FBA] =	sst s0;
	s0 =	simm.s32 @!p2 $0x0  }
0x16: {  	s3 =	sld [smem:$0x3FDB];
	s0 =	simm.s32 @p2 $0x1  }
0x17: {  	s4 =	simm.s32 $0x1BF5;
	[smem:$0x3FBC] =	sst s0  }
0x18: {  	s0 =	sld [smem:$0x3F9F];
	_ =	swait.ge [sflag:s4], $0x0  }
0x19: {  	s7 =	sld [smem:$0x3FA0]  }
0x1a: {  	s8 =	sadd.s32 $0xFFFFE003, lr  }
0x1b: {  	s9 =	sadd.s32 $0xFFFFFEF7, lr;
	s5 =	simm.s32 $0xFFFFFFFF;
	p2 =	slt.u32 s8, $0xFFFFF086  }
0x1c: {  	p1 =	slt.u32 s9, $0xF7A;
	s5 =	simm.s32 @!p2 $0x0  }
0x1d: {  	s5 =	simm.s32 @p1 $0x1;
	p0 =	seq.s32 s7, s2  }
0x1e: {  	s7 =	smul.u32 @!p0 $0xF7A, s2;
	p2 =	seq.s32 @!p0 s5, $0x0  }
0x1f: {  	s9 =	smul.u32 $0xF7A, s1;
	s8 =	simm.s32 @!p0 $0x1BF5;
	p2 =	por !p2, p0  }
0x20: {  	[sflag:s8] =	ssyncset.s32 @!p0 $0xFFFFF086;
	s6 =	sadd.s32 @!p0 s3, s7;
	s7 =	simm.s32 @!p0 $0x108  }
0x21: {  	s3 =	sadd.s32 s3, s9;
	s6 =	sadd.s32 @!p0 $0x88, s6;
	s7 =	simm.s32 @p2 $0x1082  }
0x22: {  	[simem:s7], [sflag:s8] =	dma.local @!p0 [hbm:s6], $0xF7A  }
0x23: {  	s9 =	sor.u32 $0xD0000000, s2;
	s6 =	simm.s32 $0x108;
	_ =	swait.ge @!p0 [sflag:s8], $0x0  }
0x24: {  	s3 =	sadd.s32 $0x88, s3;
	s6 =	simm.s32 @!p1 $0x1082;
	[sflag:s4] =	ssyncset.s32 $0xFFFFF086  }
0x25: {  	[simem:s6], [sflag:s4] =	dma.local [hbm:s3], $0xF7A  }
0x26: {  	[smem:$0x3FA0] =	sst s1;
	(tag) =	ssettag s2;
	_ =	strace s9  }
0x27: {  	s1 =	sld [smem:$0x3FB0]  }
0x28: {  	s2 =	sld [smem:$0x3FB1]  }
0x29: {  	s4 =	sld [smem:$0x3FB3]  }
0x2a: {  	p0 =	seq.s32 s5, $0x0;
	s5 =	sld [smem:$0x3FB4]  }
0x2b: {  	s6 =	sld [smem:$0x3FB5]  }
0x2c: {  	s7 =	sld [smem:$0x3FB6]  }
0x2d: {  	s3 =	simm.s32 $0x108;
	s8 =	sld [smem:$0x3FB7]  }
0x2e: {  	s3 =	simm.s32 @!p0 $0x1082;
	s9 =	sld [smem:$0x3FB8]  }
0x2f: {  	lr =	sadd.s32 s0, s3;
	s0 =	sld [smem:$0x3FAF]  }
0x30: {  	s3 =	sld [smem:$0x3FB2]  }
0x31: {  	[smem:$0x3FBB] =	sst s10  }
0x32: {  	s10 =	sld [smem:$0x3FB9];
	_ =	sdelay $0x3  }
0x33: {  	p0 =	seq.s32 s10, $0x1;
	s10 =	sld [smem:$0x3FBB];
	_ =	sdelay $0x3  }
0x34: {  	[smem:$0x3FBB] =	sst s10  }
0x35: {  	s10 =	sld [smem:$0x3FBA];
	_ =	sdelay $0x3  }
0x36: {  	p1 =	seq.s32 s10, $0x1;
	s10 =	sld [smem:$0x3FBB];
	_ =	sdelay $0x3  }
0x37: {  	[smem:$0x3FBB] =	sst s10  }
0x38: {  	s10 =	sld [smem:$0x3FBC]  }
0x39: {  	_ = 	snop;
	(pc) =	sbr.ind lr, $3  }
0x3a: {  	_ = 	snop  }
0x3b: {  	_ = 	snop  }
0x3c: {  	p2 =	seq.s32 s10, $0x1;
	s10 =	sld [smem:$0x3FBB]  }
0x3d: {  	_ =	shalt  }
0x3e: {  	_ =	shalt  }
0x3f: {  	_ =	shalt  }
0x40: {  	_ =	shalt  }
0x41: {  	_ =	shalt  }
0x42: {  	_ =	shalt  }
0x43: {  	_ =	shalt  }
0x44: {  	_ =	shalt  }
0x45: {  	_ =	shalt  }
0x46: {  	_ =	shalt  }
0x47: {  	_ =	shalt  }
0x48: {  	_ =	shalt  }
0x49: {  	_ =	shalt  }
0x4a: {  	_ =	shalt  }
0x4b: {  	_ =	shalt  }
0x4c: {  	_ =	shalt  }
0x4d: {  	_ =	shalt  }
0x4e: {  	_ =	shalt  }
0x4f: {  	_ =	shalt  }
0x50: {  	_ =	shalt  }
0x51: {  	_ =	shalt  }
0x52: {  	_ =	shalt  }
0x53: {  	_ =	shalt  }
0x54: {  	_ =	shalt  }
0x55: {  	_ =	shalt  }
0x56: {  	_ =	shalt  }
0x57: {  	_ =	shalt  }
0x58: {  	_ =	shalt  }
0x59: {  	_ =	shalt  }
0x5a: {  	_ =	shalt  }
0x5b: {  	_ =	shalt  }
0x5c: {  	_ =	shalt  }
0x5d: {  	_ =	shalt  }
0x5e: {  	_ =	shalt  }
0x5f: {  	_ =	shalt  }
0x60: {  	_ =	shalt  }
0x61: {  	_ =	shalt  }
0x62: {  	_ =	shalt  }
0x63: {  	_ =	shalt  }
0x64: {  	_ =	shalt  }
0x65: {  	_ =	shalt  }
0x66: {  	_ =	shalt  }
0x67: {  	_ =	shalt  }
0x68: {  	_ =	shalt  }
0x69: {  	_ =	shalt  }
0x6a: {  	_ =	shalt  }
0x6b: {  	_ =	shalt  }
0x6c: {  	_ =	shalt  }
0x6d: {  	_ =	shalt  }
0x6e: {  	_ =	shalt  }
0x6f: {  	_ =	shalt  }
0x70: {  	_ =	shalt  }
0x71: {  	_ =	shalt  }
0x72: {  	_ =	shalt  }
0x73: {  	_ =	shalt  }
0x74: {  	_ =	shalt  }
0x75: {  	_ =	shalt  }
0x76: {  	_ =	shalt  }
0x77: {  	_ =	shalt  }
0x78: {  	_ =	shalt  }
0x79: {  	_ =	shalt  }
0x7a: {  	_ =	shalt  }
0x7b: {  	_ =	shalt  }
0x7c: {  	_ =	shalt  }
0x7d: {  	_ =	shalt  }
0x7e: {  	_ =	shalt  }
0x7f: {  	_ =	shalt  }
0x80: {  	_ =	shalt  }
0x81: {  	_ =	shalt  }
0x82: {  	_ =	shalt  }
0x83: {  	_ =	shalt  }
0x84: {  	_ =	shalt  }
0x85: {  	_ =	shalt  }
0x86: {  	_ =	shalt  }
0x87: {  	_ =	shalt  }
.Lfunc_end0:
.L_simem_size_0:
called_computation_lowered:
.L_overlay_start_0:
0x88: {  	s2 =	sld [smem:$0x3FD9]  }
0x89: {  	s3 =	sld [smem:$0x3FFE];
	_ =	sdelay $0x1  }
0x8a: {  	s1 =	srdreg.scid  }
0x8b: {  	s0 =	sand.u32 $0x1, s1  }
0x8c: {  	s17 =	sshll.u32 s0, $0xA;
	s2 =	sadd.s32 s3, s2  }
0x8d: {  	s2 =	sadd.s32 s2, s17  }
0x8e: {  	[smem:$0x3FC7] =	sst s2  }
0x8f: {  	_ = 	snop  }
0x90: {  	s2 =	sld [smem:$0x3FD0];
	(tm) =	ssettm $0x1  }
0x91: {  	s18 =	sld [smem:$0x3FFB];
	_ =	sdelay $0x3  }
0x92: {  	_ =	strace s18  }
0x93: {  	s3 =	sld [smem:$0x3FFC];
	_ =	sdelay $0x3  }
0x94: {  	_ =	strace s3  }
0x95: {  	s3 =	sld [smem:$0x3FFD];
	_ =	sdelay $0x3  }
0x96: {  	_ =	strace s3  }
0x97: {  	_ =	strace $0x8FFFFFFF  }
0x98: {  	s19 =	sld [smem:$0x3FDB];
	_ =	sdelay $0x1  }
0x99: {  	s4 =	simm.s32 $_scs_section_size  }
0x9a: {  	s5 =	simm.s32 $_size__tile_overlayer_lowered;
	s6 =	simm.s32 $_tile_overlayer_lowered  }
0x9b: {  	s22 =	simm.s32 $0x1BFF;
	s21 =	sshll.u32 s6, $0x1;
	s3 =	sadd.s32 s4, s19  }
0x9c: {  	s7 =	simm.s32 $0x0;
	s20 =	sshll.u32 s5, $0x1;
	s5 =	sadd.s32 s21, s3  }
0x9d: {  	[timem:s7], [sflag:s22] =	dma.local [hbm:s5], s20  }
0x9e: {  	_ =	swait.ge [sflag:s22], s20  }
0x9f: {  	s4 =	ssub.s32 $0x0, s20;
	[sflag:s22] =	ssyncset.done $0x0  }
0xa0: {  	[sflag:s22] =	ssyncadd.s32 s4;
	_ =	sdelay $0x1  }
0xa1: {  	s23 =	simm.s32 $0x1B8B  }
0xa2: {  	_ =	swait.ge [sflag:s23], $0x1  }
0xa3: {  	[sflag:s23] =	ssyncset.done $0x0  }
0xa4: {  	s25 =	simm.s32 $0x1B8E;
	s24 =	sld [smem:$0x3FFE];
	[sflag:s23] =	ssyncadd.s32 $0xFFFFFFFF  }
0xa5: {  	s26 =	simm.s32 $execute0_lowered;
	[smem:$0x3FD2] =	sst s25  }
0xa6: {  	s5 =	sshll.u32 s26, $0x1;
	_ =	strace $0x80000046;
	[dreg:$0x1] =	wrdreg $0xFFFFFFFF  }
0xa7: {  	s28 =	simm.s32 $_size_execute0_lowered;
	s3 =	sadd.s32 s3, s5;
	[dreg:$0x0] =	wrdreg $0x0  }
0xa8: {  	s5 =	sshll.u32 s28, $0x1;
	[dreg:$0x2] =	wrdreg s3  }
0xa9: {  	[dreg:$0x3] =	wrdreg s5  }
0xaa: {  	[dreg:$0x4] =	wrdreg $0xC0  }
0xab: {  	_ =	task [dreg:s7], $0x5FFFF  }
0xac: {  	[dreg:$0x1] =	wrdreg $0xFFFFFFFF  }
0xad: {  	[dreg:$0x0] =	wrdreg $0x60  }
0xae: {  	[dreg:$0x2] =	wrdreg s24  }
0xaf: {  	[dreg:$0x3] =	wrdreg s2  }
0xb0: {  	[dreg:$0x4] =	wrdreg $0x0  }
0xb1: {  	[dreg:$0x5] =	wrdreg $0x9  }
0xb2: {  	_ =	task.clear_ibuf [dreg:s7], $0x6FFFF;
	_ =	strace $0x90000046  }
0xb3: {  	s29 =	simm.s32 $0x9;
	_ =	strace $0x80000048  }
0xb4: {  	_ =	swait.ge [sflag:s29], $0x1  }
0xb5: {  	[sflag:s29] =	ssyncadd.s32 $0xFFFFFFFF  }
0xb6: {  	_ =	strace $0x90000048  }
0xb7: {  	_ =	sfence  }
0xb8: {  	s30 =	sld [smem:$0x0];
	_ =	sdelay $0x2  }
0xb9: {  	s31 =	sshll.u32 s1, $0xD;
	s1 =	sshrl.u32 s1, $0x2  }
0xba: {  	s3 =	sand.u32 $0x4000, s31;
	s1 =	sadd.s32 s1, s30  }
0xbb: {  	s0 =	sor.u32 s3, s0;
	s1 =	sshll.u32 s1, $0x11  }
0xbc: {  	s0 =	sor.u32 s1, s0  }
0xbd: {  	s0 =	sadd.s32 $0x8F2B, s0  }
0xbe: {  	[sflag:s0] =	ssyncadd.remote.s32 $0x1  }
0xbf: {  	_ =	sfence.sel $0xFFFF  }
0xc0: {  	[dreg:$0x0] =	wrdreg $0xFFFFFFFF;
	(pc) =	sbr.abs _section_cstart, $3  }
0xc1: {  	[dreg:$0x1] =	wrdreg $0xFFFFFFFF  }
0xc2: {  	_ =	task.clear_ibuf [dreg:s7], $0x2FFFF;
	_ =	strace $0x9FFFFFFF  }
0xc3: {  	(tm) =	ssettm $0x7FFFFFFF  }
tec
execute0_lowered:
.L_overlay_start_1:
0x0: {  	(tag) =	ssettag $0x1  }
0x1: {  	s3 =	rddreg [dreg:$0x0]  }
0x2: {  	s8 =	rddreg [dreg:$0x1]  }
0x3: {  	s1 =	rddreg [dreg:$0x2];
	s4 =	srdreg.scid  }
0x4: {  	s0 =	rddreg [dreg:$0x3];
	s2 =	simm.s32 $0x0;
	s10 =	stileid.u32  }
0x5: {  	s14 =	simm.s32 $0xF80;
	s15 =	simm.s32 $0x2;
	s4 =	sand.u32 $0x1, s4  }
0x6: {  	[smem:$0x7FF] =	sst s2;
	s11 =	sshll.u32 s10, $0x15;
	p0 =	sne.s32 s10, $0x0  }
0x7: {  	s31 =	sshll.u32 s10, $0x6;
	s5 =	smul.u32 $0xF800, s4;
	s29 =	ssub.s32 $0x2, s4  }
0x8: {  	_ =	strace $0x80000047;
	s12 =	sshll.u32 s4, $0xF;
	s30 =	sshrl.u32 s29, $0x1  }
0x9: {  	s6 =	sor.u32 s11, s12;
	s9 =	sadd.s32 s5, s3;
	s5 =	ssub.s32 s29, s30  }
0xa: {  	s3 =	sshll.u32 s10, $0xA;
	s7 =	sadd.s32 s6, s8;
	s8 =	sadd.s32 s11, s8  }
0xb: {  	s10 =	sshrl.u32 @!p0 s1, $0x3;
	s11 =	sor.u32 $0x1C02, s31;
	s4 =	sadd.s32 $0x400, s9  }
0xc: {  	s13 =	ssub.s32 s1, s3;
	s5 =	smax.u32 s5, $0x1;
	s6 =	sadd.s32 $0x1F0000, s7  }
0xd: {  	s7 =	sadd.s32 $0x1F4000, s7;
	s8 =	sadd.s32 s12, s8;
	s9 =	sadd.s32 $0x1F400, s9  }
0xe: {  	s12 =	simm.s32 $0x80;
	s16 =	sadd.s32 $0x7FC00, s13;
	s17 =	sadd.s32 $0xBDC00, s13  }
0xf: {  	s13 =	simm.s32 $0x800;
	s16 =	sshrl.u32 s16, $0x3;
	s17 =	sshrl.u32 s17, $0x3  }
.LBB2_1:
0x10: {  	s19 =	simm.s32 @!p0 $0x1C01;
	s18 =	simm.s32 @!p0 $0x1  }
0x11: {  	s20 =	simm.s32 $0x0;
	s21 =	simm.s32 $0x1;
	s22 =	sadd.s32 $0x4000, s8  }
0x12: {  	[spmem:s10], [sflag:s19] =	dma.local @!p0 [hbm:s4], $0xF800  }
0x13: {  	s20 =	sand.u32 $0x1, s20;
	s21 =	sand.u32 @!p0 $0x1, s21;
	_ =	swait.ge @!p0 [sflag:s18], $0xF800  }
0x14: {  	p1 =	seq.s32 s20, $0x1;
	s20 =	simm.s32 $0x7C000;
	p2 =	seq.s32 @!p0 s21, $0x1  }
0x15: {  	s21 =	simm.s32 @!p0 $0x7C000;
	[sflag:s18] =	ssyncset.done @!p0 $0x0;
	s20 =	simm.s32 @!p1 $0x0  }
0x16: {  	p1 =	por !p2, p0;
	[sflag:s18] =	ssyncadd.s32 @!p0 $0xFFFF0800;
	s20 =	ssub.s32 s20, s3  }
0x17: {  	s21 =	simm.s32 @p1 $0x0;
	[bflag:$0x0] =	sbarrier.arrive $0xFFFF;
	s20 =	sadd.s32 s20, s1  }
0x18: {  	s21 =	sadd.s32 @!p0 s21, s1;
	s23 =	sadd.s32 $0x3C00, s20;
	s20 =	sadd.s32 $0x41C00, s20  }
0x19: {  	s21 =	sshrl.u32 @!p0 s21, $0x3;
	s23 =	sshrl.u32 s23, $0x3;
	s20 =	sshrl.u32 s20, $0x3  }
0x1a: {  	[spmem:s21], [sflag:s19] =	dma.local @!p0 [hbm:s9], $0xF800  }
0x1b: {  	[hbm:s8@s13], [sflag:s11] =	dma.strided [spmem:s23@s14], $0x4000, s12, $0x10   }
0x1c: {  	[hbm:s22@s13], [sflag:s11] =	dma.strided [spmem:s20@s14], $0x4000, s12, $0x10   }
0x1d: {  	s25 =	simm.s32 $0x2;
	s26 =	simm.s32 $0x1;
	_ =	swait.ge [sflag:s15], $0x4000  }
0x1e: {  	s24 =	simm.s32 @!p0 $0x7C000;
	s26 =	sand.u32 $0x1, s26;
	[sflag:s15] =	ssyncset.done $0x0  }
0x1f: {  	s25 =	sand.u32 @!p0 $0x1, s25;
	p2 =	seq.s32 s26, $0x1;
	[sflag:s15] =	ssyncadd.s32 $0xFFFFC000  }
0x20: {  	p1 =	seq.s32 @!p0 s25, $0x1;
	s25 =	simm.s32 $0x7C000;
	_ =	swait.ge [sflag:s15], $0x4000  }
0x21: {  	p1 =	por !p1, p0;
	s25 =	simm.s32 @!p2 $0x0;
	[sflag:s15] =	ssyncset.done $0x0  }
0x22: {  	s24 =	simm.s32 @p1 $0x0;
	s25 =	ssub.s32 s25, s3;
	[sflag:s15] =	ssyncadd.s32 $0xFFFFC000  }
0x23: {  	s21 =	sadd.s32 $0x1F000, s9;
	s20 =	sadd.s32 $0x10000, s8;
	_ =	swait.ge @!p0 [sflag:s18], $0xF800  }
0x24: {  	s22 =	simm.s32 $0x3;
	s23 =	sadd.s32 $0x4000, s20;
	[sflag:s18] =	ssyncset.done @!p0 $0x0  }
.LBB2_2:
0x25: {  	s24 =	sadd.s32 @!p0 s24, s1;
	s25 =	sadd.s32 s25, s1  }
0x26: {  	[sflag:s18] =	ssyncadd.s32 @!p0 $0xFFFF0800;
	s26 =	smov.u32 s22;
	s22 =	sadd.s32 $0x1, s22  }
0x27: {  	s28 =	sadd.s32 $0x3C00, s25;
	s25 =	sadd.s32 $0x41C00, s25;
	[bflag:$0x0] =	sbarrier.arrive $0xFFFF  }
0x28: {  	s24 =	sshrl.u32 @!p0 s24, $0x3;
	s28 =	sshrl.u32 s28, $0x3;
	s25 =	sshrl.u32 s25, $0x3  }
0x29: {  	[spmem:s24], [sflag:s19] =	dma.local @!p0 [hbm:s21], $0xF800  }
0x2a: {  	[hbm:s20@s13], [sflag:s11] =	dma.strided [spmem:s28@s14], $0x4000, s12, $0x10   }
0x2b: {  	[hbm:s23@s13], [sflag:s11] =	dma.strided [spmem:s25@s14], $0x4000, s12, $0x10   }
0x2c: {  	p1 =	sne.s32 s22, $0x20;
	s21 =	sadd.s32 $0x1F000, s21;
	_ =	swait.ge [sflag:s15], $0x4000  }
0x2d: {  	s24 =	sadd.s32 $0xFFFFFFFF, s26;
	s20 =	sadd.s32 $0x10000, s20;
	[sflag:s15] =	ssyncset.done $0x0  }
0x2e: {  	s24 =	sand.u32 $0x1, s24;
	s23 =	sadd.s32 $0x4000, s20;
	[sflag:s15] =	ssyncadd.s32 $0xFFFFC000  }
.Ltmp0:
0x2f: {  	s25 =	sand.u32 @!p0 $0x1, s26;
	_ =	swait.ge [sflag:s15], $0x4000;
	(pc) =	sbr.rel @p1 .LBB2_2-.Ltmp0, $4  }
0x30: {  	p3 =	seq.s32 s24, $0x1;
	s24 =	simm.s32 @!p0 $0x7C000;
	[sflag:s15] =	ssyncset.done $0x0  }
0x31: {  	p2 =	seq.s32 @!p0 s25, $0x1;
	s25 =	simm.s32 $0x7C000;
	[sflag:s15] =	ssyncadd.s32 $0xFFFFC000  }
0x32: {  	p2 =	por !p2, p0;
	s25 =	simm.s32 @!p3 $0x0;
	_ =	swait.ge @!p0 [sflag:s18], $0xF800  }
0x33: {  	s24 =	simm.s32 @p2 $0x0;
	s25 =	ssub.s32 s25, s3;
	[sflag:s18] =	ssyncset.done @!p0 $0x0  }
0x34: {  	s22 =	sadd.s32 @!p0 s24, s1;
	s31 =	sadd.s32 s25, s1;
	[sflag:s18] =	ssyncadd.s32 @!p0 $0xFFFF0800  }
0x35: {  	s25 =	sadd.s32 $0x3C00, s31;
	s24 =	sadd.s32 $0x41C00, s31;
	[bflag:$0x0] =	sbarrier.arrive $0xFFFF  }
0x36: {  	s22 =	sshrl.u32 @!p0 s22, $0x3;
	s25 =	sshrl.u32 s25, $0x3;
	s24 =	sshrl.u32 s24, $0x3  }
0x37: {  	[spmem:s22], [sflag:s19] =	dma.local @!p0 [hbm:s21], $0xF800  }
0x38: {  	[hbm:s20@s13], [sflag:s11] =	dma.strided [spmem:s25@s14], $0x4000, s12, $0x10   }
0x39: {  	[hbm:s23@s13], [sflag:s11] =	dma.strided [spmem:s24@s14], $0x4000, s12, $0x10   }
0x3a: {  	_ =	swait.ge [sflag:s15], $0x4000  }
0x3b: {  	[sflag:s15] =	ssyncset.done $0x0  }
0x3c: {  	[sflag:s15] =	ssyncadd.s32 $0xFFFFC000  }
0x3d: {  	_ =	swait.ge [sflag:s15], $0x4000  }
0x3e: {  	[sflag:s15] =	ssyncset.done $0x0  }
0x3f: {  	[sflag:s15] =	ssyncadd.s32 $0xFFFFC000  }
0x40: {  	_ =	swait.ge @!p0 [sflag:s18], $0xF800  }
0x41: {  	[sflag:s18] =	ssyncset.done @!p0 $0x0  }
0x42: {  	[sflag:s18] =	ssyncadd.s32 @!p0 $0xFFFF0800  }
0x43: {  	[bflag:$0x0] =	sbarrier.arrive $0xFFFF  }
0x44: {  	[hbm:s6@s13], [sflag:s11] =	dma.strided [spmem:s16@s14], $0x4000, s12, $0x10   }
0x45: {  	[hbm:s7@s13], [sflag:s11] =	dma.strided [spmem:s17@s14], $0x4000, s12, $0x10   }
0x46: {  	_ =	swait.ge [sflag:s15], $0x4000  }
0x47: {  	s2 =	sadd.s32 $0x1, s2;
	[sflag:s15] =	ssyncset.done $0x0  }
0x48: {  	p1 =	sne.s32 s2, s5;
	[sflag:s15] =	ssyncadd.s32 $0xFFFFC000  }
.Ltmp1:
0x49: {  	_ =	swait.ge [sflag:s15], $0x4000;
	(pc) =	sbr.rel @p1 .LBB2_1-.Ltmp1, $3  }
0x4a: {  	[sflag:s15] =	ssyncset.done $0x0  }
0x4b: {  	[sflag:s15] =	ssyncadd.s32 $0xFFFFC000  }
0x4c: {  	[bflag:$0x0] =	sbarrier.arrive $0xFFFF;
	_ =	sdelay $0x1  }
0x4d: {  	_ =	sfence.sel $0x180000  }
0x4e: {  	[bflag:$0x0] =	sbarrier.arrive $0xFFFF  }
0x4f: {  	_ =	strace $0x90000047  }
0x50: {  	s0 =	sadd.s32 @!p0 $0x100000, s0;
	[bflag:$0x2] =	sbarrier.arrive $0xFFFF  }
0x51: {  	[sflag:s0] =	ssyncadd.tile.s32 @!p0 $0x1;
	_ =	shalt  }
.Lfunc_end2:
_tile_overlayer_lowered:
.L_overlay_start_2:
0x52: {  	(tag) =	ssettag $0x2  }
0x53: {  	s0 =	rddreg [dreg:$0x0];
	s2 =	stileid.u32  }
0x54: {  	s1 =	rddreg [dreg:$0x1];
	p0 =	sne.s32 s2, $0x0  }
0x55: {  	s3 =	rddreg [dreg:$0x2];
	[bflag:$0x3] =	sbarrier.arrive $0xFFFF;
	s2 =	simm.s32 @!p0 $0x1C03  }
0x56: {  	[timem:s3], [sflag:s2] =	dma.local @!p0 [hbm:s0], s1  }
0x57: {  	s0 =	simm.s32 @!p0 $0x3  }
0x58: {  	_ =	swait.ge @!p0 [sflag:s0], s1  }
0x59: {  	s1 =	ssub.s32 @!p0 $0x0, s1;
	[sflag:s0] =	ssyncset.done @!p0 $0x0  }
0x5a: {  	[sflag:s0] =	ssyncadd.s32 @!p0 s1  }
0x5b: {  	[bflag:$0x3] =	sbarrier.arrive $0xFFFF  }
0x5c: {  	_ =	shalt  }

</sc_bundles>
